<compile_context>
chip_gen: v7x
topology: tpu7x:2x2x1
jax: 0.10.2.dev20260603
libtpu: 0.0.44.dev20260713+nightly
codegen_flags: <defaults>
</compile_context>

<pallas_src>
import functools

import jax
import jax.numpy as jnp
from jax import lax
from jax.experimental import pallas as pl
from jax.experimental.pallas import tpu as pltpu
from jax.experimental.pallas import tpu_sc as plsc

_NUM_CORES = 2
_NUM_SUBCORES = 16
_NW = _NUM_CORES * _NUM_SUBCORES


@functools.cache
def _make_lookup(S, T, D):
    slab = S // _NW
    assert S % _NW == 0 and slab % 16 == 0
    mesh = plsc.VectorSubcoreMesh(core_axis_name="c", subcore_axis_name="s")

    @functools.partial(
        pl.kernel,
        out_type=jax.ShapeDtypeStruct((T, D // 8, 128, 8, 128), jnp.float32),
        mesh=mesh,
        scratch_types=[
            pltpu.VMEM((2, slab), jnp.int32),
            pltpu.VMEM((2, slab, D), jnp.float32),
            pltpu.VMEM((2, D // 8, 5, 8, 131), jnp.float32),
            pltpu.SemaphoreType.DMA,
            pltpu.SemaphoreType.DMA,
            pltpu.SemaphoreType.DMA,
        ],
        compiler_params=pltpu.CompilerParams(
            use_tc_tiling_on_sc=False, needs_layout_passes=False
        ),
    )
    def k(tokt_hbm, table_hbm, out_hbm, idx_v, rows_v, tr_v, sem_i, sem_g, sem_w):
        wid = lax.axis_index("s") * _NUM_CORES + lax.axis_index("c")
        b0 = wid * slab
        iota16 = lax.iota(jnp.int32, 16)

        def idx_src(j):
            return tokt_hbm.at[j, pl.ds(b0, slab)]

        nc = slab // 128
        c0 = wid * nc

        def out_dst(j):
            return out_hbm.at[j, :, pl.ds(c0, nc), :, :]

        def tr_src(b):
            return tr_v.at[b, :, pl.ds(0, nc), :, pl.ds(0, 128)]

        r_v0 = iota16 // 8
        r_v1 = r_v0 + 2
        rr_v = lax.rem(iota16, 8)

        def transpose(b):
            src = rows_v.at[b]
            dst = tr_v.at[b]

            @plsc.parallel_loop(0, slab, 1, unroll=4)
            def _(kk):
                cl = jnp.zeros((16,), jnp.int32) + kk // 128
                cc = jnp.zeros((16,), jnp.int32) + lax.rem(kk, 128)
                v0 = src[kk, pl.ds(0, 16)]
                v1 = src[kk, pl.ds(16, 16)]
                plsc.store_scatter(dst, [r_v0, cl, rr_v, cc], v0)
                plsc.store_scatter(dst, [r_v1, cl, rr_v, cc], v1)

        pltpu.async_copy(idx_src(0), idx_v.at[0], sem_i)
        pltpu.make_async_copy(idx_src(0), idx_v.at[0], sem_i).wait()
        pltpu.async_copy(table_hbm.at[idx_v.at[0]], rows_v.at[0], sem_g)
        pltpu.async_copy(idx_src(1), idx_v.at[1], sem_i)

        def step(j, carry):
            b = j % 2
            pltpu.make_async_copy(
                table_hbm.at[idx_v.at[b]], rows_v.at[b], sem_g
            ).wait()

            @pl.when(j + 1 < T)
            def _():
                nb = (j + 1) % 2
                pltpu.make_async_copy(idx_src(0), idx_v.at[nb], sem_i).wait()
                pltpu.async_copy(
                    table_hbm.at[idx_v.at[nb]], rows_v.at[nb], sem_g
                )

                @pl.when(j + 2 < T)
                def _():
                    pltpu.async_copy(idx_src(j + 2), idx_v.at[b], sem_i)

            @pl.when(j >= 2)
            def _():
                pltpu.make_async_copy(tr_src(b), out_dst(0), sem_w).wait()

            transpose(b)
            pltpu.async_copy(tr_src(b), out_dst(j), sem_w)
            return carry

        lax.fori_loop(0, T, step, 0)
        pltpu.make_async_copy(tr_src(0), out_dst(0), sem_w).wait()
        pltpu.make_async_copy(tr_src(1), out_dst(0), sem_w).wait()

    return k


def kernel(token_ids, weight):
    S, T = token_ids.shape
    _, D = weight.shape
    tokt = jnp.transpose(token_ids).astype(jnp.int32)
    o5 = _make_lookup(S, T, D)(tokt, weight)
    return jnp.transpose(o5, (2, 4, 0, 1, 3)).reshape(S, T, D)

# --- scband reference (transcript-rebuilt; emitter-appended) ---
"""Pipeline reference for scband-embedding-tied-68891275428526 (READ-ONLY COPY).

The authoritative reference and input builder live on the scoring server;
editing this copy changes nothing except your own understanding.
"""

import jax, jax.numpy as jnp
import numpy as np

NUM_EMBEDDINGS = 1000000
EMBEDDING_DIM = 32

def setup_inputs(seed: int = 0) -> dict:
    key = jax.random.key(seed)
    k_idx, k_w = jax.random.split(key)
    token_ids = jax.random.randint(k_idx, (16384, 200), 0, NUM_EMBEDDINGS, dtype=jnp.int64 if jax.config.read('jax_enable_x64') else jnp.int32)
    std = EMBEDDING_DIM ** (-0.5)
    weight = jax.random.truncated_normal(k_w, -3.0, 3.0, (NUM_EMBEDDINGS, EMBEDDING_DIM), dtype=jnp.float32) * std
    return {"token_ids": token_ids, "weight": weight}

def reference(token_ids, weight):
    # Embedding_tied.forward: self.weight[token_ids]
    return jnp.take(weight, token_ids, axis=0)

if __name__ == "__main__":
    import jax
    _d = setup_inputs()
    print(jax.jit(kernel)(*tuple(_d.values())))

</pallas_src>

<mosaic_0001>
#map = affine_map<(d0, d1) -> (0, 0)>
#map1 = affine_map<(d0, d1) -> (0, 0, 0, 0, 0)>
module attributes {stable_mosaic.version = 14 : i64} {
  func.func @k(%arg0: i32, %arg1: i32, %arg2: memref<200x16384xi32, #tpu.memory_space<hbm>>, %arg3: memref<1000000x32xf32, #tpu.memory_space<hbm>>, %arg4: memref<200x4x128x8x128xf32, #tpu.memory_space<hbm>>, %arg5: memref<2x512xi32, #tpu.memory_space<vmem>>, %arg6: memref<2x512x32xf32, #tpu.memory_space<vmem>>, %arg7: memref<2x4x5x8x131xf32, #tpu.memory_space<vmem>>, %arg8: memref<!tpu.dma_semaphore, #tpu.memory_space<semaphore_mem>>, %arg9: memref<!tpu.dma_semaphore, #tpu.memory_space<semaphore_mem>>, %arg10: memref<!tpu.dma_semaphore, #tpu.memory_space<semaphore_mem>>) attributes {dimension_semantics = [#tpu.dimension_semantics<core_parallel>, #tpu.dimension_semantics<subcore_parallel>], iteration_bounds = array<i64: 2, 16>, scalar_prefetch = 0 : i64, scratch_operands = 6 : i64, tpu.core_type = #tpu.core_type<sc_vector_subcore>, window_params = [{transform_indices = #map}, {transform_indices = #map}, {transform_indices = #map1}]} {
    %mul3A = arith.constant 2 : i32
    %mul3A_0 = arith.muli %arg1, %mul3A : i32
    %add3A = arith.addi %mul3A_0, %arg0 : i32
    %mul3A_1 = arith.constant 512 : i32
    %mul3A_2 = arith.muli %add3A, %mul3A_1 : i32
    %iota3A = tpu.iota {dimensions = array<i32: 0>} : vector<16xi32>
    %mul3A_3 = arith.constant 4 : i32
    %mul3A_4 = arith.muli %add3A, %mul3A_3 : i32
    %jit3A = arith.constant 8 : i32
    %div3A = vector.broadcast %jit3A : i32 to vector<16xi32>
    %div3A_5 = arith.divsi %iota3A, %div3A : vector<16xi32>
    %sign3A = arith.constant 0 : i32
    %sign3A_6 = vector.broadcast %sign3A : i32 to vector<16xi32>
    %sign3A_7 = arith.cmpi sgt, %iota3A, %sign3A_6 : vector<16xi32>
    %sign3A_8 = arith.extui %sign3A_7 : vector<16xi1> to vector<16xi32>
    %sign3A_9 = arith.constant 0 : i32
    %sign3A_10 = vector.broadcast %sign3A_9 : i32 to vector<16xi32>
    %sign3A_11 = arith.cmpi slt, %iota3A, %sign3A_10 : vector<16xi32>
    %sign3A_12 = arith.extui %sign3A_11 : vector<16xi1> to vector<16xi32>
    %sign3A_13 = arith.subi %sign3A_8, %sign3A_12 : vector<16xi32>
    %sign3A_14 = arith.constant 0 : i32
    %sign3A_15 = arith.cmpi sgt, %jit3A, %sign3A_14 : i32
    %sign3A_16 = arith.extui %sign3A_15 : i1 to i32
    %sign3A_17 = arith.constant 0 : i32
    %sign3A_18 = arith.cmpi slt, %jit3A, %sign3A_17 : i32
    %sign3A_19 = arith.extui %sign3A_18 : i1 to i32
    %sign3A_20 = arith.subi %sign3A_16, %sign3A_19 : i32
    %ne3A = vector.broadcast %sign3A_20 : i32 to vector<16xi32>
    %ne3A_21 = arith.cmpi ne, %sign3A_13, %ne3A : vector<16xi32>
    %rem3A = vector.broadcast %jit3A : i32 to vector<16xi32>
    %rem3A_22 = arith.remsi %iota3A, %rem3A : vector<16xi32>
    %ne3A_23 = arith.constant 0 : i32
    %ne3A_24 = vector.broadcast %ne3A_23 : i32 to vector<16xi32>
    %ne3A_25 = arith.cmpi ne, %rem3A_22, %ne3A_24 : vector<16xi32>
    %and3A = arith.andi %ne3A_21, %ne3A_25 : vector<16xi1>
    %sub3A = arith.constant 1 : i32
    %sub3A_26 = vector.broadcast %sub3A : i32 to vector<16xi32>
    %sub3A_27 = arith.subi %div3A_5, %sub3A_26 : vector<16xi32>
    %select_n3A = arith.select %and3A, %sub3A_27, %div3A_5 : vector<16xi1>, vector<16xi32>
    %add3A_28 = arith.constant 2 : i32
    %add3A_29 = vector.broadcast %add3A_28 : i32 to vector<16xi32>
    %add3A_30 = arith.addi %select_n3A, %add3A_29 : vector<16xi32>
    %rem3A_31 = arith.constant 8 : i32
    %rem3A_32 = vector.broadcast %rem3A_31 : i32 to vector<16xi32>
    %rem3A_33 = arith.remsi %iota3A, %rem3A_32 : vector<16xi32>
    %dma_start3A = arith.constant 0 : i32
    %dma_start3A_34 = arith.constant 0 : i32
    %dma_start3A_35 = arith.constant 0 : i32
    %dma_start3A_36 = tpu.memref_slice %arg5[%dma_start3A_34, %dma_start3A_35] : memref<2x512xi32, #tpu.memory_space<vmem>> -> memref<1x512xi32, #tpu.memory_space<vmem>>
    %dma_start3A_37 = tpu.memref_squeeze %dma_start3A_36 : memref<1x512xi32, #tpu.memory_space<vmem>> -> memref<512xi32, #tpu.memory_space<vmem>>
    %dma_start3A_38 = tpu.memref_slice %arg2[%dma_start3A, %mul3A_2] : memref<200x16384xi32, #tpu.memory_space<hbm>> -> memref<1x512xi32, #tpu.memory_space<hbm>>
    %dma_start3A_39 = tpu.memref_squeeze %dma_start3A_38 : memref<1x512xi32, #tpu.memory_space<hbm>> -> memref<512xi32, #tpu.memory_space<hbm>>
    %dma_start3A_40 = arith.constant 0 : i32
    %dma_start3A_41 = tpu.memref_slice %arg5[%dma_start3A_34, %dma_start3A_40] : memref<2x512xi32, #tpu.memory_space<vmem>> -> memref<1x512xi32, #tpu.memory_space<vmem>>
    %dma_start3A_42 = tpu.memref_squeeze %dma_start3A_41 : memref<1x512xi32, #tpu.memory_space<vmem>> -> memref<512xi32, #tpu.memory_space<vmem>>
    %dma_start3A_43 = tpu.memref_slice %arg2[%dma_start3A, %mul3A_2] : memref<200x16384xi32, #tpu.memory_space<hbm>> -> memref<1x512xi32, #tpu.memory_space<hbm>>
    %dma_start3A_44 = tpu.memref_squeeze %dma_start3A_43 : memref<1x512xi32, #tpu.memory_space<hbm>> -> memref<512xi32, #tpu.memory_space<hbm>>
    tpu.enqueue_dma source(%dma_start3A_44 : memref<512xi32, #tpu.memory_space<hbm>>) target(%dma_start3A_42 : memref<512xi32, #tpu.memory_space<vmem>>) target_semaphore(%arg8 : memref<!tpu.dma_semaphore, #tpu.memory_space<semaphore_mem>>)
    %dma_wait3A = arith.constant 0 : i32
    %dma_wait3A_45 = arith.constant 0 : i32
    %dma_wait3A_46 = arith.constant 0 : i32
    %dma_wait3A_47 = tpu.memref_slice %arg5[%dma_wait3A_45, %dma_wait3A_46] : memref<2x512xi32, #tpu.memory_space<vmem>> -> memref<1x512xi32, #tpu.memory_space<vmem>>
    %dma_wait3A_48 = tpu.memref_squeeze %dma_wait3A_47 : memref<1x512xi32, #tpu.memory_space<vmem>> -> memref<512xi32, #tpu.memory_space<vmem>>
    %dma_wait3A_49 = tpu.memref_slice %arg2[%dma_wait3A, %mul3A_2] : memref<200x16384xi32, #tpu.memory_space<hbm>> -> memref<1x512xi32, #tpu.memory_space<hbm>>
    %dma_wait3A_50 = tpu.memref_squeeze %dma_wait3A_49 : memref<1x512xi32, #tpu.memory_space<hbm>> -> memref<512xi32, #tpu.memory_space<hbm>>
    %dma_wait3A_51 = arith.constant 0 : i32
    %dma_wait3A_52 = tpu.memref_slice %arg5[%dma_wait3A_45, %dma_wait3A_51] : memref<2x512xi32, #tpu.memory_space<vmem>> -> memref<1x512xi32, #tpu.memory_space<vmem>>
    %dma_wait3A_53 = tpu.memref_squeeze %dma_wait3A_52 : memref<1x512xi32, #tpu.memory_space<vmem>> -> memref<512xi32, #tpu.memory_space<vmem>>
    %dma_wait3A_54 = tpu.memref_slice %arg2[%dma_wait3A, %mul3A_2] : memref<200x16384xi32, #tpu.memory_space<hbm>> -> memref<1x512xi32, #tpu.memory_space<hbm>>
    %dma_wait3A_55 = tpu.memref_squeeze %dma_wait3A_54 : memref<1x512xi32, #tpu.memory_space<hbm>> -> memref<512xi32, #tpu.memory_space<hbm>>
    tpu.wait_dma2 semaphore(%arg8 : memref<!tpu.dma_semaphore, #tpu.memory_space<semaphore_mem>>) src(%dma_wait3A_55 : memref<512xi32, #tpu.memory_space<hbm>>) dst(%dma_wait3A_53 : memref<512xi32, #tpu.memory_space<vmem>>)
    %dma_start3A_56 = arith.constant 0 : i32
    %dma_start3A_57 = arith.constant 0 : i32
    %dma_start3A_58 = arith.constant 0 : i32
    %dma_start3A_59 = arith.constant 0 : i32
    %dma_start3A_60 = tpu.memref_slice %arg6[%dma_start3A_57, %dma_start3A_58, %dma_start3A_59] : memref<2x512x32xf32, #tpu.memory_space<vmem>> -> memref<1x512x32xf32, #tpu.memory_space<vmem>>
    %dma_start3A_61 = tpu.memref_squeeze %dma_start3A_60 : memref<1x512x32xf32, #tpu.memory_space<vmem>> -> memref<512x32xf32, #tpu.memory_space<vmem>>
    %dma_start3A_62 = arith.constant 0 : i32
    %dma_start3A_63 = tpu.memref_slice %arg5[%dma_start3A_56, %dma_start3A_62] : memref<2x512xi32, #tpu.memory_space<vmem>> -> memref<1x512xi32, #tpu.memory_space<vmem>>
    %dma_start3A_64 = tpu.memref_squeeze %dma_start3A_63 : memref<1x512xi32, #tpu.memory_space<vmem>> -> memref<512xi32, #tpu.memory_space<vmem>>
    %dma_start3A_65 = arith.constant 0 : i32
    %dma_start3A_66 = arith.constant 0 : i32
    %dma_start3A_67 = tpu.memref_slice %arg3[%dma_start3A_65, %dma_start3A_66] : memref<1000000x32xf32, #tpu.memory_space<hbm>> -> memref<1000000x32xf32, #tpu.memory_space<hbm>>
    tpu.enqueue_indirect_dma source(%dma_start3A_67 : memref<1000000x32xf32, #tpu.memory_space<hbm>>) target(%dma_start3A_61 : memref<512x32xf32, #tpu.memory_space<vmem>>) offsets(%dma_start3A_64 : memref<512xi32, #tpu.memory_space<vmem>>) semaphore(%arg9 : memref<!tpu.dma_semaphore, #tpu.memory_space<semaphore_mem>>)
    %dma_start3A_68 = arith.constant 1 : i32
    %dma_start3A_69 = arith.constant 1 : i32
    %dma_start3A_70 = arith.constant 0 : i32
    %dma_start3A_71 = tpu.memref_slice %arg5[%dma_start3A_69, %dma_start3A_70] : memref<2x512xi32, #tpu.memory_space<vmem>> -> memref<1x512xi32, #tpu.memory_space<vmem>>
    %dma_start3A_72 = tpu.memref_squeeze %dma_start3A_71 : memref<1x512xi32, #tpu.memory_space<vmem>> -> memref<512xi32, #tpu.memory_space<vmem>>
    %dma_start3A_73 = tpu.memref_slice %arg2[%dma_start3A_68, %mul3A_2] : memref<200x16384xi32, #tpu.memory_space<hbm>> -> memref<1x512xi32, #tpu.memory_space<hbm>>
    %dma_start3A_74 = tpu.memref_squeeze %dma_start3A_73 : memref<1x512xi32, #tpu.memory_space<hbm>> -> memref<512xi32, #tpu.memory_space<hbm>>
    %dma_start3A_75 = arith.constant 0 : i32
    %dma_start3A_76 = tpu.memref_slice %arg5[%dma_start3A_69, %dma_start3A_75] : memref<2x512xi32, #tpu.memory_space<vmem>> -> memref<1x512xi32, #tpu.memory_space<vmem>>
    %dma_start3A_77 = tpu.memref_squeeze %dma_start3A_76 : memref<1x512xi32, #tpu.memory_space<vmem>> -> memref<512xi32, #tpu.memory_space<vmem>>
    %dma_start3A_78 = tpu.memref_slice %arg2[%dma_start3A_68, %mul3A_2] : memref<200x16384xi32, #tpu.memory_space<hbm>> -> memref<1x512xi32, #tpu.memory_space<hbm>>
    %dma_start3A_79 = tpu.memref_squeeze %dma_start3A_78 : memref<1x512xi32, #tpu.memory_space<hbm>> -> memref<512xi32, #tpu.memory_space<hbm>>
    tpu.enqueue_dma source(%dma_start3A_79 : memref<512xi32, #tpu.memory_space<hbm>>) target(%dma_start3A_77 : memref<512xi32, #tpu.memory_space<vmem>>) target_semaphore(%arg8 : memref<!tpu.dma_semaphore, #tpu.memory_space<semaphore_mem>>)
    %scan3A = arith.constant 0 : i32
    %scan3A_80 = arith.constant 0 : i32
    %scan3A_81 = arith.constant 200 : i32
    %scan3A_82 = arith.addi %scan3A_80, %scan3A_81 : i32
    %scan3A_83 = arith.constant 1 : i32
    scf.for %scan3A_133 = %scan3A_80 to %scan3A_82 step %scan3A_83  : i32 {
      %jit3A_134 = arith.constant 2 : i32
      %eq3A = arith.constant 0 : i32
      %eq3A_135 = arith.cmpi eq, %jit3A_134, %eq3A : i32
      %jit3A_136 = arith.constant 1 : i32
      %select_n3A_137 = arith.select %eq3A_135, %jit3A_136, %jit3A_134 : i32
      %rem3A_138 = arith.remsi %scan3A_133, %select_n3A_137 : i32
      %ne3A_139 = arith.constant 0 : i32
      %ne3A_140 = arith.cmpi ne, %rem3A_138, %ne3A_139 : i32
      %lt3A = arith.constant 0 : i32
      %lt3A_141 = arith.cmpi slt, %rem3A_138, %lt3A : i32
      %lt3A_142 = arith.constant 0 : i32
      %lt3A_143 = arith.cmpi slt, %select_n3A_137, %lt3A_142 : i32
      %ne3A_144 = arith.xori %lt3A_141, %lt3A_143 : i1
      %and3A_145 = arith.andi %ne3A_144, %ne3A_140 : i1
      %add3A_146 = arith.addi %rem3A_138, %select_n3A_137 : i32
      %select_n3A_147 = arith.select %and3A_145, %add3A_146, %rem3A_138 : i32
      %dma_wait3A_148 = arith.constant 0 : i32
      %dma_wait3A_149 = arith.constant 0 : i32
      %dma_wait3A_150 = tpu.memref_slice %arg6[%select_n3A_147, %dma_wait3A_148, %dma_wait3A_149] : memref<2x512x32xf32, #tpu.memory_space<vmem>> -> memref<1x512x32xf32, #tpu.memory_space<vmem>>
      %dma_wait3A_151 = tpu.memref_squeeze %dma_wait3A_150 : memref<1x512x32xf32, #tpu.memory_space<vmem>> -> memref<512x32xf32, #tpu.memory_space<vmem>>
      %dma_wait3A_152 = arith.constant 0 : i32
      %dma_wait3A_153 = tpu.memref_slice %arg5[%select_n3A_147, %dma_wait3A_152] : memref<2x512xi32, #tpu.memory_space<vmem>> -> memref<1x512xi32, #tpu.memory_space<vmem>>
      %dma_wait3A_154 = tpu.memref_squeeze %dma_wait3A_153 : memref<1x512xi32, #tpu.memory_space<vmem>> -> memref<512xi32, #tpu.memory_space<vmem>>
      %dma_wait3A_155 = arith.constant 0 : i32
      %dma_wait3A_156 = arith.constant 0 : i32
      %dma_wait3A_157 = tpu.memref_slice %arg3[%dma_wait3A_155, %dma_wait3A_156] : memref<1000000x32xf32, #tpu.memory_space<hbm>> -> memref<1000000x32xf32, #tpu.memory_space<hbm>>
      tpu.wait_indirect_dma semaphore(%arg9 : memref<!tpu.dma_semaphore, #tpu.memory_space<semaphore_mem>>) src(%dma_wait3A_157 : memref<1000000x32xf32, #tpu.memory_space<hbm>>) dst(%dma_wait3A_151 : memref<512x32xf32, #tpu.memory_space<vmem>>)
      %add3A_158 = arith.constant 1 : i32
      %add3A_159 = arith.addi %scan3A_133, %add3A_158 : i32
      %lt3A_160 = arith.constant 200 : i32
      %lt3A_161 = arith.cmpi slt, %add3A_159, %lt3A_160 : i32
      %convert_element_type3A = arith.extui %lt3A_161 : i1 to i32
      %cond3A = arith.constant 0 : i32
      %cond3A_162 = arith.cmpi ne, %convert_element_type3A, %cond3A : i32
      scf.if %cond3A_162 {
        %add3A_191 = arith.constant 1 : i32
        %add3A_192 = arith.addi %scan3A_133, %add3A_191 : i32
        %jit3A_193 = arith.constant 2 : i32
        %eq3A_194 = arith.constant 0 : i32
        %eq3A_195 = arith.cmpi eq, %jit3A_193, %eq3A_194 : i32
        %jit3A_196 = arith.constant 1 : i32
        %select_n3A_197 = arith.select %eq3A_195, %jit3A_196, %jit3A_193 : i32
        %rem3A_198 = arith.remsi %add3A_192, %select_n3A_197 : i32
        %ne3A_199 = arith.constant 0 : i32
        %ne3A_200 = arith.cmpi ne, %rem3A_198, %ne3A_199 : i32
        %lt3A_201 = arith.constant 0 : i32
        %lt3A_202 = arith.cmpi slt, %rem3A_198, %lt3A_201 : i32
        %lt3A_203 = arith.constant 0 : i32
        %lt3A_204 = arith.cmpi slt, %select_n3A_197, %lt3A_203 : i32
        %ne3A_205 = arith.xori %lt3A_202, %lt3A_204 : i1
        %and3A_206 = arith.andi %ne3A_205, %ne3A_200 : i1
        %add3A_207 = arith.addi %rem3A_198, %select_n3A_197 : i32
        %select_n3A_208 = arith.select %and3A_206, %add3A_207, %rem3A_198 : i32
        %dma_wait3A_209 = arith.constant 0 : i32
        %dma_wait3A_210 = arith.constant 0 : i32
        %dma_wait3A_211 = tpu.memref_slice %arg5[%select_n3A_208, %dma_wait3A_210] : memref<2x512xi32, #tpu.memory_space<vmem>> -> memref<1x512xi32, #tpu.memory_space<vmem>>
        %dma_wait3A_212 = tpu.memref_squeeze %dma_wait3A_211 : memref<1x512xi32, #tpu.memory_space<vmem>> -> memref<512xi32, #tpu.memory_space<vmem>>
        %dma_wait3A_213 = tpu.memref_slice %arg2[%dma_wait3A_209, %mul3A_2] : memref<200x16384xi32, #tpu.memory_space<hbm>> -> memref<1x512xi32, #tpu.memory_space<hbm>>
        %dma_wait3A_214 = tpu.memref_squeeze %dma_wait3A_213 : memref<1x512xi32, #tpu.memory_space<hbm>> -> memref<512xi32, #tpu.memory_space<hbm>>
        %dma_wait3A_215 = arith.constant 0 : i32
        %dma_wait3A_216 = tpu.memref_slice %arg5[%select_n3A_208, %dma_wait3A_215] : memref<2x512xi32, #tpu.memory_space<vmem>> -> memref<1x512xi32, #tpu.memory_space<vmem>>
        %dma_wait3A_217 = tpu.memref_squeeze %dma_wait3A_216 : memref<1x512xi32, #tpu.memory_space<vmem>> -> memref<512xi32, #tpu.memory_space<vmem>>
        %dma_wait3A_218 = tpu.memref_slice %arg2[%dma_wait3A_209, %mul3A_2] : memref<200x16384xi32, #tpu.memory_space<hbm>> -> memref<1x512xi32, #tpu.memory_space<hbm>>
        %dma_wait3A_219 = tpu.memref_squeeze %dma_wait3A_218 : memref<1x512xi32, #tpu.memory_space<hbm>> -> memref<512xi32, #tpu.memory_space<hbm>>
        tpu.wait_dma2 semaphore(%arg8 : memref<!tpu.dma_semaphore, #tpu.memory_space<semaphore_mem>>) src(%dma_wait3A_219 : memref<512xi32, #tpu.memory_space<hbm>>) dst(%dma_wait3A_217 : memref<512xi32, #tpu.memory_space<vmem>>)
        %dma_start3A_220 = arith.constant 0 : i32
        %dma_start3A_221 = arith.constant 0 : i32
        %dma_start3A_222 = tpu.memref_slice %arg6[%select_n3A_208, %dma_start3A_220, %dma_start3A_221] : memref<2x512x32xf32, #tpu.memory_space<vmem>> -> memref<1x512x32xf32, #tpu.memory_space<vmem>>
        %dma_start3A_223 = tpu.memref_squeeze %dma_start3A_222 : memref<1x512x32xf32, #tpu.memory_space<vmem>> -> memref<512x32xf32, #tpu.memory_space<vmem>>
        %dma_start3A_224 = arith.constant 0 : i32
        %dma_start3A_225 = tpu.memref_slice %arg5[%select_n3A_208, %dma_start3A_224] : memref<2x512xi32, #tpu.memory_space<vmem>> -> memref<1x512xi32, #tpu.memory_space<vmem>>
        %dma_start3A_226 = tpu.memref_squeeze %dma_start3A_225 : memref<1x512xi32, #tpu.memory_space<vmem>> -> memref<512xi32, #tpu.memory_space<vmem>>
        %dma_start3A_227 = arith.constant 0 : i32
        %dma_start3A_228 = arith.constant 0 : i32
        %dma_start3A_229 = tpu.memref_slice %arg3[%dma_start3A_227, %dma_start3A_228] : memref<1000000x32xf32, #tpu.memory_space<hbm>> -> memref<1000000x32xf32, #tpu.memory_space<hbm>>
        tpu.enqueue_indirect_dma source(%dma_start3A_229 : memref<1000000x32xf32, #tpu.memory_space<hbm>>) target(%dma_start3A_223 : memref<512x32xf32, #tpu.memory_space<vmem>>) offsets(%dma_start3A_226 : memref<512xi32, #tpu.memory_space<vmem>>) semaphore(%arg9 : memref<!tpu.dma_semaphore, #tpu.memory_space<semaphore_mem>>)
        %add3A_230 = arith.constant 2 : i32
        %add3A_231 = arith.addi %scan3A_133, %add3A_230 : i32
        %lt3A_232 = arith.constant 200 : i32
        %lt3A_233 = arith.cmpi slt, %add3A_231, %lt3A_232 : i32
        %convert_element_type3A_234 = arith.extui %lt3A_233 : i1 to i32
        %cond3A_235 = arith.constant 0 : i32
        %cond3A_236 = arith.cmpi ne, %convert_element_type3A_234, %cond3A_235 : i32
        scf.if %cond3A_236 {
          %add3A_237 = arith.constant 2 : i32
          %add3A_238 = arith.addi %scan3A_133, %add3A_237 : i32
          %dma_start3A_239 = arith.constant 0 : i32
          %dma_start3A_240 = tpu.memref_slice %arg5[%select_n3A_147, %dma_start3A_239] : memref<2x512xi32, #tpu.memory_space<vmem>> -> memref<1x512xi32, #tpu.memory_space<vmem>>
          %dma_start3A_241 = tpu.memref_squeeze %dma_start3A_240 : memref<1x512xi32, #tpu.memory_space<vmem>> -> memref<512xi32, #tpu.memory_space<vmem>>
          %dma_start3A_242 = tpu.memref_slice %arg2[%add3A_238, %mul3A_2] : memref<200x16384xi32, #tpu.memory_space<hbm>> -> memref<1x512xi32, #tpu.memory_space<hbm>>
          %dma_start3A_243 = tpu.memref_squeeze %dma_start3A_242 : memref<1x512xi32, #tpu.memory_space<hbm>> -> memref<512xi32, #tpu.memory_space<hbm>>
          %dma_start3A_244 = arith.constant 0 : i32
          %dma_start3A_245 = tpu.memref_slice %arg5[%select_n3A_147, %dma_start3A_244] : memref<2x512xi32, #tpu.memory_space<vmem>> -> memref<1x512xi32, #tpu.memory_space<vmem>>
          %dma_start3A_246 = tpu.memref_squeeze %dma_start3A_245 : memref<1x512xi32, #tpu.memory_space<vmem>> -> memref<512xi32, #tpu.memory_space<vmem>>
          %dma_start3A_247 = tpu.memref_slice %arg2[%add3A_238, %mul3A_2] : memref<200x16384xi32, #tpu.memory_space<hbm>> -> memref<1x512xi32, #tpu.memory_space<hbm>>
          %dma_start3A_248 = tpu.memref_squeeze %dma_start3A_247 : memref<1x512xi32, #tpu.memory_space<hbm>> -> memref<512xi32, #tpu.memory_space<hbm>>
          tpu.enqueue_dma source(%dma_start3A_248 : memref<512xi32, #tpu.memory_space<hbm>>) target(%dma_start3A_246 : memref<512xi32, #tpu.memory_space<vmem>>) target_semaphore(%arg8 : memref<!tpu.dma_semaphore, #tpu.memory_space<semaphore_mem>>)
        } else {
        }
      } else {
      }
      %ge3A = arith.constant 2 : i32
      %ge3A_163 = arith.cmpi sge, %scan3A_133, %ge3A : i32
      %convert_element_type3A_164 = arith.extui %ge3A_163 : i1 to i32
      %cond3A_165 = arith.constant 0 : i32
      %cond3A_166 = arith.cmpi ne, %convert_element_type3A_164, %cond3A_165 : i32
      scf.if %cond3A_166 {
        %dma_wait3A_191 = arith.constant 0 : i32
        %dma_wait3A_192 = arith.constant 0 : i32
        %dma_wait3A_193 = arith.constant 0 : i32
        %dma_wait3A_194 = arith.constant 0 : i32
        %dma_wait3A_195 = arith.constant 0 : i32
        %dma_wait3A_196 = tpu.memref_slice %arg7[%select_n3A_147, %dma_wait3A_192, %dma_wait3A_193, %dma_wait3A_194, %dma_wait3A_195] : memref<2x4x5x8x131xf32, #tpu.memory_space<vmem>> -> memref<1x4x4x8x128xf32, #tpu.memory_space<vmem>>
        %dma_wait3A_197 = tpu.memref_squeeze %dma_wait3A_196 : memref<1x4x4x8x128xf32, #tpu.memory_space<vmem>> -> memref<4x4x8x128xf32, #tpu.memory_space<vmem>>
        %dma_wait3A_198 = arith.constant 0 : i32
        %dma_wait3A_199 = arith.constant 0 : i32
        %dma_wait3A_200 = arith.constant 0 : i32
        %dma_wait3A_201 = tpu.memref_slice %arg4[%dma_wait3A_191, %dma_wait3A_198, %mul3A_4, %dma_wait3A_199, %dma_wait3A_200] : memref<200x4x128x8x128xf32, #tpu.memory_space<hbm>> -> memref<1x4x4x8x128xf32, #tpu.memory_space<hbm>>
        %dma_wait3A_202 = tpu.memref_squeeze %dma_wait3A_201 : memref<1x4x4x8x128xf32, #tpu.memory_space<hbm>> -> memref<4x4x8x128xf32, #tpu.memory_space<hbm>>
        %dma_wait3A_203 = arith.constant 0 : i32
        %dma_wait3A_204 = arith.constant 0 : i32
        %dma_wait3A_205 = arith.constant 0 : i32
        %dma_wait3A_206 = tpu.memref_slice %arg4[%dma_wait3A_191, %dma_wait3A_203, %mul3A_4, %dma_wait3A_204, %dma_wait3A_205] : memref<200x4x128x8x128xf32, #tpu.memory_space<hbm>> -> memref<1x4x4x8x128xf32, #tpu.memory_space<hbm>>
        %dma_wait3A_207 = tpu.memref_squeeze %dma_wait3A_206 : memref<1x4x4x8x128xf32, #tpu.memory_space<hbm>> -> memref<4x4x8x128xf32, #tpu.memory_space<hbm>>
        %dma_wait3A_208 = arith.constant 0 : i32
        %dma_wait3A_209 = arith.constant 0 : i32
        %dma_wait3A_210 = arith.constant 0 : i32
        %dma_wait3A_211 = arith.constant 0 : i32
        %dma_wait3A_212 = tpu.memref_slice %arg7[%select_n3A_147, %dma_wait3A_208, %dma_wait3A_209, %dma_wait3A_210, %dma_wait3A_211] : memref<2x4x5x8x131xf32, #tpu.memory_space<vmem>> -> memref<1x4x4x8x128xf32, #tpu.memory_space<vmem>>
        %dma_wait3A_213 = tpu.memref_squeeze %dma_wait3A_212 : memref<1x4x4x8x128xf32, #tpu.memory_space<vmem>> -> memref<4x4x8x128xf32, #tpu.memory_space<vmem>>
        tpu.wait_dma2 semaphore(%arg10 : memref<!tpu.dma_semaphore, #tpu.memory_space<semaphore_mem>>) src(%dma_wait3A_213 : memref<4x4x8x128xf32, #tpu.memory_space<vmem>>) dst(%dma_wait3A_207 : memref<4x4x8x128xf32, #tpu.memory_space<hbm>>)
      } else {
      }
      %parallel_loop3A = arith.constant 0 : i32
      %parallel_loop3A_167 = arith.constant 512 : i32
      %parallel_loop3A_168 = arith.constant 1 : i32
      scf.for %parallel_loop3A_191 = %parallel_loop3A to %parallel_loop3A_167 step %parallel_loop3A_168  : i32 {
        %parallel_loop3A_192 = arith.constant 0 : i32
        %parallel_loop3A_193 = vector.broadcast %parallel_loop3A_192 : i32 to vector<16xi32>
        %parallel_loop3A_194 = arith.constant 128 : i32
        %parallel_loop3A_195 = arith.divsi %parallel_loop3A_191, %parallel_loop3A_194 : i32
        %parallel_loop3A_196 = arith.constant 0 : i32
        %parallel_loop3A_197 = arith.cmpi sgt, %parallel_loop3A_191, %parallel_loop3A_196 : i32
        %parallel_loop3A_198 = arith.extui %parallel_loop3A_197 : i1 to i32
        %parallel_loop3A_199 = arith.constant 0 : i32
        %parallel_loop3A_200 = arith.cmpi slt, %parallel_loop3A_191, %parallel_loop3A_199 : i32
        %parallel_loop3A_201 = arith.extui %parallel_loop3A_200 : i1 to i32
        %parallel_loop3A_202 = arith.subi %parallel_loop3A_198, %parallel_loop3A_201 : i32
        %parallel_loop3A_203 = arith.constant 0 : i32
        %parallel_loop3A_204 = arith.cmpi sgt, %parallel_loop3A_194, %parallel_loop3A_203 : i32
        %parallel_loop3A_205 = arith.extui %parallel_loop3A_204 : i1 to i32
        %parallel_loop3A_206 = arith.constant 0 : i32
        %parallel_loop3A_207 = arith.cmpi slt, %parallel_loop3A_194, %parallel_loop3A_206 : i32
        %parallel_loop3A_208 = arith.extui %parallel_loop3A_207 : i1 to i32
        %parallel_loop3A_209 = arith.subi %parallel_loop3A_205, %parallel_loop3A_208 : i32
        %parallel_loop3A_210 = arith.cmpi ne, %parallel_loop3A_202, %parallel_loop3A_209 : i32
        %parallel_loop3A_211 = arith.remsi %parallel_loop3A_191, %parallel_loop3A_194 : i32
        %parallel_loop3A_212 = arith.constant 0 : i32
        %parallel_loop3A_213 = arith.cmpi ne, %parallel_loop3A_211, %parallel_loop3A_212 : i32
        %parallel_loop3A_214 = arith.andi %parallel_loop3A_210, %parallel_loop3A_213 : i1
        %parallel_loop3A_215 = arith.constant 1 : i32
        %parallel_loop3A_216 = arith.subi %parallel_loop3A_195, %parallel_loop3A_215 : i32
        %parallel_loop3A_217 = arith.select %parallel_loop3A_214, %parallel_loop3A_216, %parallel_loop3A_195 : i32
        %parallel_loop3A_218 = vector.broadcast %parallel_loop3A_217 : i32 to vector<16xi32>
        %parallel_loop3A_219 = arith.addi %parallel_loop3A_193, %parallel_loop3A_218 : vector<16xi32>
        %parallel_loop3A_220 = arith.constant 0 : i32
        %parallel_loop3A_221 = vector.broadcast %parallel_loop3A_220 : i32 to vector<16xi32>
        %parallel_loop3A_222 = arith.constant 128 : i32
        %parallel_loop3A_223 = arith.remsi %parallel_loop3A_191, %parallel_loop3A_222 : i32
        %parallel_loop3A_224 = vector.broadcast %parallel_loop3A_223 : i32 to vector<16xi32>
        %parallel_loop3A_225 = arith.addi %parallel_loop3A_221, %parallel_loop3A_224 : vector<16xi32>
        %parallel_loop3A_226 = arith.constant 0 : i32
        %parallel_loop3A_227 = arith.constant 0 : i32
        %parallel_loop3A_228 = tpu.memref_slice %arg6[%select_n3A_147, %parallel_loop3A_226, %parallel_loop3A_227] : memref<2x512x32xf32, #tpu.memory_space<vmem>> -> memref<1x512x32xf32, #tpu.memory_space<vmem>>
        %parallel_loop3A_229 = tpu.memref_squeeze %parallel_loop3A_228 : memref<1x512x32xf32, #tpu.memory_space<vmem>> -> memref<512x32xf32, #tpu.memory_space<vmem>>
        %parallel_loop3A_230 = arith.index_cast %parallel_loop3A_191 : i32 to index
        %parallel_loop3A_231 = arith.constant 0 : index
        %parallel_loop3A_232 = tpu.vector_load %parallel_loop3A_229[%parallel_loop3A_230, %parallel_loop3A_231] {strides = array<i32>} : memref<512x32xf32, #tpu.memory_space<vmem>>, vector<16xf32>,
        %parallel_loop3A_233 = arith.constant 0 : i32
        %parallel_loop3A_234 = arith.constant 0 : i32
        %parallel_loop3A_235 = tpu.memref_slice %arg6[%select_n3A_147, %parallel_loop3A_233, %parallel_loop3A_234] : memref<2x512x32xf32, #tpu.memory_space<vmem>> -> memref<1x512x32xf32, #tpu.memory_space<vmem>>
        %parallel_loop3A_236 = tpu.memref_squeeze %parallel_loop3A_235 : memref<1x512x32xf32, #tpu.memory_space<vmem>> -> memref<512x32xf32, #tpu.memory_space<vmem>>
        %parallel_loop3A_237 = arith.index_cast %parallel_loop3A_191 : i32 to index
        %parallel_loop3A_238 = arith.constant 16 : index
        %parallel_loop3A_239 = tpu.vector_load %parallel_loop3A_236[%parallel_loop3A_237, %parallel_loop3A_238] {strides = array<i32>} : memref<512x32xf32, #tpu.memory_space<vmem>>, vector<16xf32>,
        %parallel_loop3A_240 = arith.constant 0 : i32
        %parallel_loop3A_241 = arith.constant 0 : i32
        %parallel_loop3A_242 = arith.constant 0 : i32
        %parallel_loop3A_243 = arith.constant 0 : i32
        %parallel_loop3A_244 = tpu.memref_slice %arg7[%select_n3A_147, %parallel_loop3A_240, %parallel_loop3A_241, %parallel_loop3A_242, %parallel_loop3A_243] : memref<2x4x5x8x131xf32, #tpu.memory_space<vmem>> -> memref<1x4x5x8x131xf32, #tpu.memory_space<vmem>>
        %parallel_loop3A_245 = tpu.memref_squeeze %parallel_loop3A_244 : memref<1x4x5x8x131xf32, #tpu.memory_space<vmem>> -> memref<4x5x8x131xf32, #tpu.memory_space<vmem>>
        tpu.vector_store_idx %parallel_loop3A_245[%select_n3A, %parallel_loop3A_219, %rem3A_33, %parallel_loop3A_225], %parallel_loop3A_232 : memref<4x5x8x131xf32, #tpu.memory_space<vmem>>[vector<16xi32>, vector<16xi32>, vector<16xi32>, vector<16xi32>], vector<16xf32>,
        %parallel_loop3A_246 = arith.constant 0 : i32
        %parallel_loop3A_247 = arith.constant 0 : i32
        %parallel_loop3A_248 = arith.constant 0 : i32
        %parallel_loop3A_249 = arith.constant 0 : i32
        %parallel_loop3A_250 = tpu.memref_slice %arg7[%select_n3A_147, %parallel_loop3A_246, %parallel_loop3A_247, %parallel_loop3A_248, %parallel_loop3A_249] : memref<2x4x5x8x131xf32, #tpu.memory_space<vmem>> -> memref<1x4x5x8x131xf32, #tpu.memory_space<vmem>>
        %parallel_loop3A_251 = tpu.memref_squeeze %parallel_loop3A_250 : memref<1x4x5x8x131xf32, #tpu.memory_space<vmem>> -> memref<4x5x8x131xf32, #tpu.memory_space<vmem>>
        tpu.vector_store_idx %parallel_loop3A_251[%add3A_30, %parallel_loop3A_219, %rem3A_33, %parallel_loop3A_225], %parallel_loop3A_239 : memref<4x5x8x131xf32, #tpu.memory_space<vmem>>[vector<16xi32>, vector<16xi32>, vector<16xi32>, vector<16xi32>], vector<16xf32>,
      } {sc.loop_unroll_factor = 4 : i64, sc.parallel_access}
      %dma_start3A_169 = arith.constant 0 : i32
      %dma_start3A_170 = arith.constant 0 : i32
      %dma_start3A_171 = arith.constant 0 : i32
      %dma_start3A_172 = arith.constant 0 : i32
      %dma_start3A_173 = tpu.memref_slice %arg7[%select_n3A_147, %dma_start3A_169, %dma_start3A_170, %dma_start3A_171, %dma_start3A_172] : memref<2x4x5x8x131xf32, #tpu.memory_space<vmem>> -> memref<1x4x4x8x128xf32, #tpu.memory_space<vmem>>
      %dma_start3A_174 = tpu.memref_squeeze %dma_start3A_173 : memref<1x4x4x8x128xf32, #tpu.memory_space<vmem>> -> memref<4x4x8x128xf32, #tpu.memory_space<vmem>>
      %dma_start3A_175 = arith.constant 0 : i32
      %dma_start3A_176 = arith.constant 0 : i32
      %dma_start3A_177 = arith.constant 0 : i32
      %dma_start3A_178 = tpu.memref_slice %arg4[%scan3A_133, %dma_start3A_175, %mul3A_4, %dma_start3A_176, %dma_start3A_177] : memref<200x4x128x8x128xf32, #tpu.memory_space<hbm>> -> memref<1x4x4x8x128xf32, #tpu.memory_space<hbm>>
      %dma_start3A_179 = tpu.memref_squeeze %dma_start3A_178 : memref<1x4x4x8x128xf32, #tpu.memory_space<hbm>> -> memref<4x4x8x128xf32, #tpu.memory_space<hbm>>
      %dma_start3A_180 = arith.constant 0 : i32
      %dma_start3A_181 = arith.constant 0 : i32
      %dma_start3A_182 = arith.constant 0 : i32
      %dma_start3A_183 = tpu.memref_slice %arg4[%scan3A_133, %dma_start3A_180, %mul3A_4, %dma_start3A_181, %dma_start3A_182] : memref<200x4x128x8x128xf32, #tpu.memory_space<hbm>> -> memref<1x4x4x8x128xf32, #tpu.memory_space<hbm>>
      %dma_start3A_184 = tpu.memref_squeeze %dma_start3A_183 : memref<1x4x4x8x128xf32, #tpu.memory_space<hbm>> -> memref<4x4x8x128xf32, #tpu.memory_space<hbm>>
      %dma_start3A_185 = arith.constant 0 : i32
      %dma_start3A_186 = arith.constant 0 : i32
      %dma_start3A_187 = arith.constant 0 : i32
      %dma_start3A_188 = arith.constant 0 : i32
      %dma_start3A_189 = tpu.memref_slice %arg7[%select_n3A_147, %dma_start3A_185, %dma_start3A_186, %dma_start3A_187, %dma_start3A_188] : memref<2x4x5x8x131xf32, #tpu.memory_space<vmem>> -> memref<1x4x4x8x128xf32, #tpu.memory_space<vmem>>
      %dma_start3A_190 = tpu.memref_squeeze %dma_start3A_189 : memref<1x4x4x8x128xf32, #tpu.memory_space<vmem>> -> memref<4x4x8x128xf32, #tpu.memory_space<vmem>>
      tpu.enqueue_dma source(%dma_start3A_190 : memref<4x4x8x128xf32, #tpu.memory_space<vmem>>) target(%dma_start3A_184 : memref<4x4x8x128xf32, #tpu.memory_space<hbm>>) target_semaphore(%arg10 : memref<!tpu.dma_semaphore, #tpu.memory_space<semaphore_mem>>)
    }
    %scan3A_84 = arith.constant 200 : i32
    %dma_wait3A_85 = arith.constant 0 : i32
    %dma_wait3A_86 = arith.constant 0 : i32
    %dma_wait3A_87 = arith.constant 0 : i32
    %dma_wait3A_88 = arith.constant 0 : i32
    %dma_wait3A_89 = arith.constant 0 : i32
    %dma_wait3A_90 = arith.constant 0 : i32
    %dma_wait3A_91 = tpu.memref_slice %arg7[%dma_wait3A_85, %dma_wait3A_87, %dma_wait3A_88, %dma_wait3A_89, %dma_wait3A_90] : memref<2x4x5x8x131xf32, #tpu.memory_space<vmem>> -> memref<1x4x4x8x128xf32, #tpu.memory_space<vmem>>
    %dma_wait3A_92 = tpu.memref_squeeze %dma_wait3A_91 : memref<1x4x4x8x128xf32, #tpu.memory_space<vmem>> -> memref<4x4x8x128xf32, #tpu.memory_space<vmem>>
    %dma_wait3A_93 = arith.constant 0 : i32
    %dma_wait3A_94 = arith.constant 0 : i32
    %dma_wait3A_95 = arith.constant 0 : i32
    %dma_wait3A_96 = tpu.memref_slice %arg4[%dma_wait3A_86, %dma_wait3A_93, %mul3A_4, %dma_wait3A_94, %dma_wait3A_95] : memref<200x4x128x8x128xf32, #tpu.memory_space<hbm>> -> memref<1x4x4x8x128xf32, #tpu.memory_space<hbm>>
    %dma_wait3A_97 = tpu.memref_squeeze %dma_wait3A_96 : memref<1x4x4x8x128xf32, #tpu.memory_space<hbm>> -> memref<4x4x8x128xf32, #tpu.memory_space<hbm>>
    %dma_wait3A_98 = arith.constant 0 : i32
    %dma_wait3A_99 = arith.constant 0 : i32
    %dma_wait3A_100 = arith.constant 0 : i32
    %dma_wait3A_101 = tpu.memref_slice %arg4[%dma_wait3A_86, %dma_wait3A_98, %mul3A_4, %dma_wait3A_99, %dma_wait3A_100] : memref<200x4x128x8x128xf32, #tpu.memory_space<hbm>> -> memref<1x4x4x8x128xf32, #tpu.memory_space<hbm>>
    %dma_wait3A_102 = tpu.memref_squeeze %dma_wait3A_101 : memref<1x4x4x8x128xf32, #tpu.memory_space<hbm>> -> memref<4x4x8x128xf32, #tpu.memory_space<hbm>>
    %dma_wait3A_103 = arith.constant 0 : i32
    %dma_wait3A_104 = arith.constant 0 : i32
    %dma_wait3A_105 = arith.constant 0 : i32
    %dma_wait3A_106 = arith.constant 0 : i32
    %dma_wait3A_107 = tpu.memref_slice %arg7[%dma_wait3A_85, %dma_wait3A_103, %dma_wait3A_104, %dma_wait3A_105, %dma_wait3A_106] : memref<2x4x5x8x131xf32, #tpu.memory_space<vmem>> -> memref<1x4x4x8x128xf32, #tpu.memory_space<vmem>>
    %dma_wait3A_108 = tpu.memref_squeeze %dma_wait3A_107 : memref<1x4x4x8x128xf32, #tpu.memory_space<vmem>> -> memref<4x4x8x128xf32, #tpu.memory_space<vmem>>
    tpu.wait_dma2 semaphore(%arg10 : memref<!tpu.dma_semaphore, #tpu.memory_space<semaphore_mem>>) src(%dma_wait3A_108 : memref<4x4x8x128xf32, #tpu.memory_space<vmem>>) dst(%dma_wait3A_102 : memref<4x4x8x128xf32, #tpu.memory_space<hbm>>)
    %dma_wait3A_109 = arith.constant 1 : i32
    %dma_wait3A_110 = arith.constant 0 : i32
    %dma_wait3A_111 = arith.constant 0 : i32
    %dma_wait3A_112 = arith.constant 0 : i32
    %dma_wait3A_113 = arith.constant 0 : i32
    %dma_wait3A_114 = arith.constant 0 : i32
    %dma_wait3A_115 = tpu.memref_slice %arg7[%dma_wait3A_109, %dma_wait3A_111, %dma_wait3A_112, %dma_wait3A_113, %dma_wait3A_114] : memref<2x4x5x8x131xf32, #tpu.memory_space<vmem>> -> memref<1x4x4x8x128xf32, #tpu.memory_space<vmem>>
    %dma_wait3A_116 = tpu.memref_squeeze %dma_wait3A_115 : memref<1x4x4x8x128xf32, #tpu.memory_space<vmem>> -> memref<4x4x8x128xf32, #tpu.memory_space<vmem>>
    %dma_wait3A_117 = arith.constant 0 : i32
    %dma_wait3A_118 = arith.constant 0 : i32
    %dma_wait3A_119 = arith.constant 0 : i32
    %dma_wait3A_120 = tpu.memref_slice %arg4[%dma_wait3A_110, %dma_wait3A_117, %mul3A_4, %dma_wait3A_118, %dma_wait3A_119] : memref<200x4x128x8x128xf32, #tpu.memory_space<hbm>> -> memref<1x4x4x8x128xf32, #tpu.memory_space<hbm>>
    %dma_wait3A_121 = tpu.memref_squeeze %dma_wait3A_120 : memref<1x4x4x8x128xf32, #tpu.memory_space<hbm>> -> memref<4x4x8x128xf32, #tpu.memory_space<hbm>>
    %dma_wait3A_122 = arith.constant 0 : i32
    %dma_wait3A_123 = arith.constant 0 : i32
    %dma_wait3A_124 = arith.constant 0 : i32
    %dma_wait3A_125 = tpu.memref_slice %arg4[%dma_wait3A_110, %dma_wait3A_122, %mul3A_4, %dma_wait3A_123, %dma_wait3A_124] : memref<200x4x128x8x128xf32, #tpu.memory_space<hbm>> -> memref<1x4x4x8x128xf32, #tpu.memory_space<hbm>>
    %dma_wait3A_126 = tpu.memref_squeeze %dma_wait3A_125 : memref<1x4x4x8x128xf32, #tpu.memory_space<hbm>> -> memref<4x4x8x128xf32, #tpu.memory_space<hbm>>
    %dma_wait3A_127 = arith.constant 0 : i32
    %dma_wait3A_128 = arith.constant 0 : i32
    %dma_wait3A_129 = arith.constant 0 : i32
    %dma_wait3A_130 = arith.constant 0 : i32
    %dma_wait3A_131 = tpu.memref_slice %arg7[%dma_wait3A_109, %dma_wait3A_127, %dma_wait3A_128, %dma_wait3A_129, %dma_wait3A_130] : memref<2x4x5x8x131xf32, #tpu.memory_space<vmem>> -> memref<1x4x4x8x128xf32, #tpu.memory_space<vmem>>
    %dma_wait3A_132 = tpu.memref_squeeze %dma_wait3A_131 : memref<1x4x4x8x128xf32, #tpu.memory_space<vmem>> -> memref<4x4x8x128xf32, #tpu.memory_space<vmem>>
    tpu.wait_dma2 semaphore(%arg10 : memref<!tpu.dma_semaphore, #tpu.memory_space<semaphore_mem>>) src(%dma_wait3A_132 : memref<4x4x8x128xf32, #tpu.memory_space<vmem>>) dst(%dma_wait3A_126 : memref<4x4x8x128xf32, #tpu.memory_space<hbm>>)
    return
  }
}

</mosaic_0001>

<sc_bundles>
// kernel: kernel.3.cloned.1.call-start
scs
__scs_entry_jumppad:
0x0: {  	(pc) =	sbr.rel $0x88, $3  }
0x1: {  	(tag) =	ssettag $0x0;
	lr =	simm.s32 $0x1  }
0x2: {  	[smem:$0x3F9F] =	sst lr;
	_ =	strace $0xD0000000  }
0x3: {  	_ = 	snop  }
0x4: {  	_ = 	snop  }
0x5: {  	_ = 	snop  }
0x6: {  	_ = 	snop  }
0x7: {  	_ = 	snop  }
__scs_overlays_trampoline_lowered:
0x8: {  	[smem:$0x3FAE] =	sst s0  }
0x9: {  	[smem:$0x3FAF] =	sst s1  }
0xa: {  	[smem:$0x3FB0] =	sst s2  }
0xb: {  	[smem:$0x3FB1] =	sst s3  }
0xc: {  	[smem:$0x3FB2] =	sst s4  }
0xd: {  	[smem:$0x3FB3] =	sst s5  }
0xe: {  	[smem:$0x3FB4] =	sst s6  }
0xf: {  	[smem:$0x3FB5] =	sst s7  }
0x10: {  	[smem:$0x3FB6] =	sst s8  }
0x11: {  	[smem:$0x3FB7] =	sst s9;
	s0 =	simm.s32 @!p0 $0x0  }
0x12: {  	s1 =	sld [smem:$0x3F9D];
	s0 =	simm.s32 @p0 $0x1  }
0x13: {  	[smem:$0x3FB8] =	sst s0;
	s0 =	simm.s32 @!p1 $0x0  }
0x14: {  	s2 =	sld [smem:$0x3F9C];
	s0 =	simm.s32 @p1 $0x1  }
0x15: {  	[smem:$0x3FB9] =	sst s0;
	s0 =	simm.s32 @!p2 $0x0  }
0x16: {  	s3 =	sld [smem:$0x3FDB];
	s0 =	simm.s32 @p2 $0x1  }
0x17: {  	s4 =	simm.s32 $0x1BF5;
	[smem:$0x3FBB] =	sst s0  }
0x18: {  	s0 =	sld [smem:$0x3F9E];
	_ =	swait.ge [sflag:s4], $0x0  }
0x19: {  	s7 =	sld [smem:$0x3F9F]  }
0x1a: {  	s8 =	sadd.s32 $0xFFFFE003, lr  }
0x1b: {  	s9 =	sadd.s32 $0xFFFFFEF7, lr;
	s5 =	simm.s32 $0xFFFFFFFF;
	p2 =	slt.u32 s8, $0xFFFFF086  }
0x1c: {  	p1 =	slt.u32 s9, $0xF7A;
	s5 =	simm.s32 @!p2 $0x0  }
0x1d: {  	s5 =	simm.s32 @p1 $0x1;
	p0 =	seq.s32 s7, s2  }
0x1e: {  	s7 =	smul.u32 @!p0 $0xF7A, s2;
	p2 =	seq.s32 @!p0 s5, $0x0  }
0x1f: {  	s9 =	smul.u32 $0xF7A, s1;
	s8 =	simm.s32 @!p0 $0x1BF5;
	p2 =	por !p2, p0  }
0x20: {  	[sflag:s8] =	ssyncset.s32 @!p0 $0xFFFFF086;
	s6 =	sadd.s32 @!p0 s3, s7;
	s7 =	simm.s32 @!p0 $0x108  }
0x21: {  	s3 =	sadd.s32 s3, s9;
	s6 =	sadd.s32 @!p0 $0x88, s6;
	s7 =	simm.s32 @p2 $0x1082  }
0x22: {  	[simem:s7], [sflag:s8] =	dma.local @!p0 [hbm:s6], $0xF7A  }
0x23: {  	s9 =	sor.u32 $0xD0000000, s2;
	s6 =	simm.s32 $0x108;
	_ =	swait.ge @!p0 [sflag:s8], $0x0  }
0x24: {  	s3 =	sadd.s32 $0x88, s3;
	s6 =	simm.s32 @!p1 $0x1082;
	[sflag:s4] =	ssyncset.s32 $0xFFFFF086  }
0x25: {  	[simem:s6], [sflag:s4] =	dma.local [hbm:s3], $0xF7A  }
0x26: {  	[smem:$0x3F9F] =	sst s1;
	(tag) =	ssettag s2;
	_ =	strace s9  }
0x27: {  	s1 =	sld [smem:$0x3FAF]  }
0x28: {  	s2 =	sld [smem:$0x3FB0]  }
0x29: {  	s4 =	sld [smem:$0x3FB2]  }
0x2a: {  	p0 =	seq.s32 s5, $0x0;
	s5 =	sld [smem:$0x3FB3]  }
0x2b: {  	s6 =	sld [smem:$0x3FB4]  }
0x2c: {  	s7 =	sld [smem:$0x3FB5]  }
0x2d: {  	s3 =	simm.s32 $0x108;
	s8 =	sld [smem:$0x3FB6]  }
0x2e: {  	s3 =	simm.s32 @!p0 $0x1082;
	s9 =	sld [smem:$0x3FB7]  }
0x2f: {  	lr =	sadd.s32 s0, s3;
	s0 =	sld [smem:$0x3FAE]  }
0x30: {  	s3 =	sld [smem:$0x3FB1]  }
0x31: {  	[smem:$0x3FBA] =	sst s10  }
0x32: {  	s10 =	sld [smem:$0x3FB8];
	_ =	sdelay $0x3  }
0x33: {  	p0 =	seq.s32 s10, $0x1;
	s10 =	sld [smem:$0x3FBA];
	_ =	sdelay $0x3  }
0x34: {  	[smem:$0x3FBA] =	sst s10  }
0x35: {  	s10 =	sld [smem:$0x3FB9];
	_ =	sdelay $0x3  }
0x36: {  	p1 =	seq.s32 s10, $0x1;
	s10 =	sld [smem:$0x3FBA];
	_ =	sdelay $0x3  }
0x37: {  	[smem:$0x3FBA] =	sst s10  }
0x38: {  	s10 =	sld [smem:$0x3FBB]  }
0x39: {  	_ = 	snop;
	(pc) =	sbr.ind lr, $3  }
0x3a: {  	_ = 	snop  }
0x3b: {  	_ = 	snop  }
0x3c: {  	p2 =	seq.s32 s10, $0x1;
	s10 =	sld [smem:$0x3FBA]  }
0x3d: {  	_ =	shalt  }
0x3e: {  	_ =	shalt  }
0x3f: {  	_ =	shalt  }
0x40: {  	_ =	shalt  }
0x41: {  	_ =	shalt  }
0x42: {  	_ =	shalt  }
0x43: {  	_ =	shalt  }
0x44: {  	_ =	shalt  }
0x45: {  	_ =	shalt  }
0x46: {  	_ =	shalt  }
0x47: {  	_ =	shalt  }
0x48: {  	_ =	shalt  }
0x49: {  	_ =	shalt  }
0x4a: {  	_ =	shalt  }
0x4b: {  	_ =	shalt  }
0x4c: {  	_ =	shalt  }
0x4d: {  	_ =	shalt  }
0x4e: {  	_ =	shalt  }
0x4f: {  	_ =	shalt  }
0x50: {  	_ =	shalt  }
0x51: {  	_ =	shalt  }
0x52: {  	_ =	shalt  }
0x53: {  	_ =	shalt  }
0x54: {  	_ =	shalt  }
0x55: {  	_ =	shalt  }
0x56: {  	_ =	shalt  }
0x57: {  	_ =	shalt  }
0x58: {  	_ =	shalt  }
0x59: {  	_ =	shalt  }
0x5a: {  	_ =	shalt  }
0x5b: {  	_ =	shalt  }
0x5c: {  	_ =	shalt  }
0x5d: {  	_ =	shalt  }
0x5e: {  	_ =	shalt  }
0x5f: {  	_ =	shalt  }
0x60: {  	_ =	shalt  }
0x61: {  	_ =	shalt  }
0x62: {  	_ =	shalt  }
0x63: {  	_ =	shalt  }
0x64: {  	_ =	shalt  }
0x65: {  	_ =	shalt  }
0x66: {  	_ =	shalt  }
0x67: {  	_ =	shalt  }
0x68: {  	_ =	shalt  }
0x69: {  	_ =	shalt  }
0x6a: {  	_ =	shalt  }
0x6b: {  	_ =	shalt  }
0x6c: {  	_ =	shalt  }
0x6d: {  	_ =	shalt  }
0x6e: {  	_ =	shalt  }
0x6f: {  	_ =	shalt  }
0x70: {  	_ =	shalt  }
0x71: {  	_ =	shalt  }
0x72: {  	_ =	shalt  }
0x73: {  	_ =	shalt  }
0x74: {  	_ =	shalt  }
0x75: {  	_ =	shalt  }
0x76: {  	_ =	shalt  }
0x77: {  	_ =	shalt  }
0x78: {  	_ =	shalt  }
0x79: {  	_ =	shalt  }
0x7a: {  	_ =	shalt  }
0x7b: {  	_ =	shalt  }
0x7c: {  	_ =	shalt  }
0x7d: {  	_ =	shalt  }
0x7e: {  	_ =	shalt  }
0x7f: {  	_ =	shalt  }
0x80: {  	_ =	shalt  }
0x81: {  	_ =	shalt  }
0x82: {  	_ =	shalt  }
0x83: {  	_ =	shalt  }
0x84: {  	_ =	shalt  }
0x85: {  	_ =	shalt  }
0x86: {  	_ =	shalt  }
0x87: {  	_ =	shalt  }
.Lfunc_end0:
.L_simem_size_0:
called_computation_lowered:
.L_overlay_start_0:
0x88: {  	s2 =	sld [smem:$0x3FD9]  }
0x89: {  	s3 =	sld [smem:$0x3FFE];
	_ =	sdelay $0x1  }
0x8a: {  	s1 =	srdreg.scid  }
0x8b: {  	s0 =	sand.u32 $0x1, s1  }
0x8c: {  	s17 =	sshll.u32 s0, $0xA;
	s2 =	sadd.s32 s3, s2  }
0x8d: {  	s2 =	sadd.s32 s2, s17  }
0x8e: {  	[smem:$0x3FC6] =	sst s2  }
0x8f: {  	_ = 	snop  }
0x90: {  	s2 =	sld [smem:$0x3FD0];
	(tm) =	ssettm $0x1  }
0x91: {  	s18 =	sld [smem:$0x3FFB];
	_ =	sdelay $0x3  }
0x92: {  	_ =	strace s18  }
0x93: {  	s3 =	sld [smem:$0x3FFC];
	_ =	sdelay $0x3  }
0x94: {  	_ =	strace s3  }
0x95: {  	s3 =	sld [smem:$0x3FFD];
	_ =	sdelay $0x3  }
0x96: {  	_ =	strace s3  }
0x97: {  	_ =	strace $0x8FFFFFFF  }
0x98: {  	s19 =	sld [smem:$0x3FDB];
	_ =	sdelay $0x1  }
0x99: {  	s4 =	simm.s32 $_scs_section_size  }
0x9a: {  	s5 =	simm.s32 $_size__tile_overlayer_lowered;
	s6 =	simm.s32 $_tile_overlayer_lowered  }
0x9b: {  	s22 =	simm.s32 $0x1BFF;
	s21 =	sshll.u32 s6, $0x1;
	s3 =	sadd.s32 s4, s19  }
0x9c: {  	s7 =	simm.s32 $0x0;
	s20 =	sshll.u32 s5, $0x1;
	s5 =	sadd.s32 s21, s3  }
0x9d: {  	[timem:s7], [sflag:s22] =	dma.local [hbm:s5], s20  }
0x9e: {  	_ =	swait.ge [sflag:s22], s20  }
0x9f: {  	s4 =	ssub.s32 $0x0, s20;
	[sflag:s22] =	ssyncset.done $0x0  }
0xa0: {  	[sflag:s22] =	ssyncadd.s32 s4;
	_ =	sdelay $0x1  }
0xa1: {  	s23 =	simm.s32 $0x1B8B  }
0xa2: {  	_ =	swait.ge [sflag:s23], $0x1  }
0xa3: {  	[sflag:s23] =	ssyncset.done $0x0  }
0xa4: {  	s25 =	simm.s32 $0x1B8E;
	s24 =	sld [smem:$0x3FFE];
	[sflag:s23] =	ssyncadd.s32 $0xFFFFFFFF  }
0xa5: {  	s26 =	simm.s32 $execute0_lowered;
	[smem:$0x3FD2] =	sst s25  }
0xa6: {  	s5 =	sshll.u32 s26, $0x1;
	_ =	strace $0x80000046;
	[dreg:$0x1] =	wrdreg $0xFFFFFFFF  }
0xa7: {  	s28 =	simm.s32 $_size_execute0_lowered;
	s3 =	sadd.s32 s3, s5;
	[dreg:$0x0] =	wrdreg $0x0  }
0xa8: {  	s5 =	sshll.u32 s28, $0x1;
	[dreg:$0x2] =	wrdreg s3  }
0xa9: {  	[dreg:$0x3] =	wrdreg s5  }
0xaa: {  	[dreg:$0x4] =	wrdreg $0xC0  }
0xab: {  	_ =	task [dreg:s7], $0x5FFFF  }
0xac: {  	[dreg:$0x1] =	wrdreg $0xFFFFFFFF  }
0xad: {  	[dreg:$0x0] =	wrdreg $0x60  }
0xae: {  	[dreg:$0x2] =	wrdreg s24  }
0xaf: {  	[dreg:$0x3] =	wrdreg s2  }
0xb0: {  	[dreg:$0x4] =	wrdreg $0x9  }
0xb1: {  	_ =	task.clear_ibuf [dreg:s7], $0x5FFFF;
	_ =	strace $0x90000046  }
0xb2: {  	s29 =	simm.s32 $0x9;
	_ =	strace $0x80000048  }
0xb3: {  	_ =	swait.ge [sflag:s29], $0x1  }
0xb4: {  	[sflag:s29] =	ssyncadd.s32 $0xFFFFFFFF  }
0xb5: {  	_ =	strace $0x90000048  }
0xb6: {  	_ =	sfence  }
0xb7: {  	s30 =	sld [smem:$0x0];
	_ =	sdelay $0x2  }
0xb8: {  	s31 =	sshll.u32 s1, $0xD;
	s1 =	sshrl.u32 s1, $0x2  }
0xb9: {  	s3 =	sand.u32 $0x4000, s31;
	s1 =	sadd.s32 s1, s30  }
0xba: {  	s0 =	sor.u32 s3, s0;
	s1 =	sshll.u32 s1, $0x11  }
0xbb: {  	s0 =	sor.u32 s1, s0  }
0xbc: {  	s0 =	sadd.s32 $0x8F2B, s0  }
0xbd: {  	[sflag:s0] =	ssyncadd.remote.s32 $0x1  }
0xbe: {  	_ =	sfence.sel $0xFFFF  }
0xbf: {  	[dreg:$0x0] =	wrdreg $0xFFFFFFFF;
	(pc) =	sbr.abs _section_cstart, $3  }
0xc0: {  	[dreg:$0x1] =	wrdreg $0xFFFFFFFF  }
0xc1: {  	_ =	task.clear_ibuf [dreg:s7], $0x2FFFF;
	_ =	strace $0x9FFFFFFF  }
0xc2: {  	(tm) =	ssettm $0x7FFFFFFF  }
0xc3: {  	_ =	shalt  }
tec
execute0_lowered:
.L_overlay_start_1:
0x0: {  	(tag) =	ssettag $0x1  }
0x1: {  	v0 =	vimm.s32 $0x18F8;
	vm0 =	vcmask $0x300;
	v1 =	vimm.s32 $0x4378  }
0x2: {  	vm1 =	vcmask $0x704;
	v0 =	vsel vm0, $0x0, v0;
	v1 =	vsel vm0, $0x2A80, v1  }
0x3: {  	vm15 =	vcmask $0xB08;
	v0 =	vsel vm1, $0x88, v0;
	v1 =	vsel vm1, $0x2B08, v1  }
0x4: {  	vm4 =	vcmask $0xF0C;
	v0 =	vsel vm15, $0x110, v0;
	v1 =	vsel vm15, $0x2B90, v1  }
0x5: {  	vm5 =	vcmask $0x1310;
	v0 =	vsel vm4, $0x198, v0;
	v1 =	vsel vm4, $0x2C18, v1  }
0x6: {  	s4 =	rddreg [dreg:$0x0];
	vm6 =	vcmask $0x1714;
	v0 =	vsel vm5, $0x220, v0;
	v1 =	vsel vm5, $0x2CA0, v1  }
0x7: {  	s8 =	rddreg [dreg:$0x1];
	vm7 =	vcmask $0x1B18;
	v0 =	vsel vm6, $0x2A8, v0;
	v1 =	vsel vm6, $0x2D28, v1  }
0x8: {  	s0 =	rddreg [dreg:$0x2];
	s2 =	simm.s32 $0x0;
	s3 =	srdreg.scid;
	vm8 =	vcmask $0x1F1C;
	v0 =	vsel vm7, $0x330, v0;
	v1 =	vsel vm7, $0x2DB0, v1  }
0x9: {  	s1 =	stileid.u32;
	vm9 =	vcmask $0x2320;
	s11 =	simm.s32 $0x200;
	s12 =	simm.s32 $0x400;
	v0 =	vsel vm8, $0x3B8, v0;
	v1 =	vsel vm8, $0x2E38, v1  }
0xa: {  	vm10 =	vcmask $0x2724;
	s13 =	simm.s32 $0x2;
	s14 =	simm.s32 $0x3;
	s15 =	simm.s32 $0x0;
	v0 =	vsel vm9, $0x1540, v0;
	v1 =	vsel vm9, $0x3FC0, v1  }
0xb: {  	vm11 =	vcmask $0x2B28;
	[smem:$0x7FF] =	sst s2;
	s5 =	sand.u32 $0x1, s3;
	s30 =	sshll.u32 s1, $0x1;
	v0 =	vsel vm10, $0x15C8, v0;
	v1 =	vsel vm10, $0x4048, v1  }
0xc: {  	vm12 =	vcmask $0x2F2C;
	s3 =	sadd.s32 $0x600, s4;
	s4 =	sadd.s32 $0xF42A00, s4;
	s6 =	sor.u32 s5, s30;
	v0 =	vsel vm11, $0x1650, v0;
	v1 =	vsel vm11, $0x40D0, v1  }
0xd: {  	vm13 =	vcmask $0x3330;
	_ =	strace $0x80000047;
	s7 =	ssub.s32 $0x2, s5;
	s31 =	sshll.u32 s6, $0x6;
	v0 =	vsel vm12, $0x16D8, v0;
	v1 =	vsel vm12, $0x4158, v1  }
0xe: {  	vm14 =	vcmask $0x3734;
	s9 =	sshrl.u32 s7, $0x1;
	s10 =	sshll.u32 s6, $0x9;
	s5 =	sadd.s32 s3, s31;
	v0 =	vsel vm13, $0x1760, v0;
	v1 =	vsel vm13, $0x41E0, v1  }
0xf: {  	vm15 =	vcmask $0x3B38;
	s9 =	ssub.s32 s7, s9;
	s7 =	sor.u32 $0x8000, s10;
	s8 =	sadd.s32 s8, s10;
	v0 =	vsel vm14, $0x17E8, v0;
	v1 =	vsel vm14, $0x4268, v1  }
0x10: {  	s10 =	simm.s32 $0x1;
	s6 =	sadd.s32 $0x800, s5;
	s9 =	smax.u32 s9, $0x1;
	v0 =	vsel vm15, $0x1870, v0;
	v1 =	vsel vm15, $0x42F0, v1  }
.LBB2_1:
0x11: {  	[tilespmem:s2], [sflag:$0x1] =	stream.linear.gather [hbm4b:s5+s2], $0x200, $0x38;
	[tilespmem:$0x12E00] =	vst v63  }
0x12: {  	_ =	swait.ge [sflag:s10], $0x200  }
0x13: {  	[sflag:s10] =	ssyncset.done $0x0  }
0x14: {  	[sflag:s10] =	ssyncadd.s32 $0xFFFFFE00  }
0x15: {  	[tilespmem:s12], [sflag:$0x2] =	stream.indirect.gather [hbm4b:s4+s11], $0x20, s2, s11, $0xb8;
	[tilespmem:$0x12E00] =	vst v63  }
0x16: {  	p0 =	por $0x0, $0x0;
	s17 =	simm.s32 $0x0  }
0x17: {  	[tilespmem:s11], [sflag:$0x1] =	stream.linear.gather [hbm4b:s6+s2], $0x200, $0x38;
	[tilespmem:$0x12E00] =	vst v63  }
.LBB2_2:
0x18: {  	_ =	swait.ge [sflag:s13], $0x4000  }
0x19: {  	p1 =	seq.s32 s17, $0xC7;
	[sflag:s13] =	ssyncset.done $0x0  }
0x1a: {  	s16 =	sadd.s32 $0x1, s17;
	s18 =	simm.s32 @!p1 $0x1;
	[sflag:s13] =	ssyncadd.s32 $0xFFFFC000  }
0x1b: {  	s19 =	sand.u32 @!p1 $0x1, s16;
	p2 =	sgt.u32 @!p1 s17, $0xC5;
	_ =	swait.ge @!p1 [sflag:s18], $0x200  }
0x1c: {  	s20 =	sshll.u32 @!p1 s19, $0x9;
	s19 =	sshll.u32 @!p1 s19, $0xE;
	[sflag:s18] =	ssyncset.done @!p1 $0x0  }
0x1d: {  	[sflag:s18] =	ssyncadd.s32 @!p1 $0xFFFFFE00;
	s18 =	sor.u32 @!p1 $0x400, s19;
	s19 =	simm.s32 @!p1 $0x200  }
0x1e: {  	[tilespmem:s18], [sflag:$0x2] =	stream.indirect.gather @!p1 [hbm4b:s4+s19], $0x20, s20, s19, $0xb8;
	[tilespmem:$0x12E00] =	vst v63  }
0x1f: {  	s30 =	simm.s32 $0x0;
	p1 =	por p1, p2  }
0x20: {  	s31 =	simm.s32 $0x1;
	s22 =	simm.s32 $0x2;
	s18 =	sshll.u32 @!p1 s17, $0xE  }
0x21: {  	s23 =	simm.s32 $0x3;
	s19 =	sand.u32 $0x1, s17;
	s18 =	sadd.s32 @!p1 s7, s18  }
0x22: {  	s24 =	simm.s32 $0x0;
	s20 =	sshll.u32 @!p1 s19, $0x9;
	s18 =	sshrl.u32 @!p1 s18, $0x3  }
0x23: {  	v2 =	vmov s30;
	s21 =	simm.s32 @!p1 $0x0;
	p2 =	slt.u32 @!p1 s17, $0x2;
	s18 =	sadd.s32 @!p1 s3, s18  }
0x24: {  	v3 =	vmov s22;
	v2 =	vmul.u32 $0x440, v2;
	[tilespmem:s20], [sflag:$0x1] =	stream.linear.gather @!p1 [hbm4b:s18+s21], $0x200, $0x38;
	[tilespmem:$0x12E00] =	vst v63  }
0x25: {  	v4 =	vmov s23;
	v5 =	vmov s31;
	v8 =	vmov s24;
	p1 =	por p1, !p2;
	s18 =	simm.s32 $0x1  }
0x26: {  	v6 =	vand.u32 $0x78, v3;
	v3 =	vand.u32 $0x6, v3;
	v2 =	vbroadcast v2, $0x0;
	_ =	swait.ge @p1 [sflag:s14], $0x4000;
	s18 =	simm.s32 @!p0 $0x0  }
0x27: {  	v7 =	vand.u32 $0x78, v4;
	v9 =	vand.u32 $0x78, v5;
	v5 =	vand.u32 $0x5, v5;
	[sflag:s14] =	ssyncset.done @p1 $0x0;
	s25 =	sshll.u32 s18, $0xE  }
0x28: {  	v4 =	vand.u32 $0x7, v4;
	v14 =	vand.u32 $0x4, v8;
	v10 =	vadd.s32 v0, v2;
	[sflag:s14] =	ssyncadd.s32 @p1 $0xFFFFC000;
	s20 =	sor.u32 $0x440, s25  }
0x29: {  	v11 =	vadd.s32 v1, v2;
	v2 =	vand.u32 $0x78, v8;
	v15 =	vadd.s32 v7, v10;
	v13 =	vld [tilespmem:s20+$0xFFFFFFC0]  }
0x2a: {  	v12 =	vadd.s32 v9, v10;
	v8 =	vadd.s32 v2, v10;
	v15 =	vor.u32 v4, v15;
	v16 =	vld [tilespmem:s20+$0x20]  }
0x2b: {  	v9 =	vadd.s32 v9, v11;
	s19 =	smul.u32 $0x15400, s19;
	v17 =	vadd.s32 v2, v11;
	v12 =	vor.u32 v5, v12;
	v18 =	vld [tilespmem:s20+$0xFFFFFFE0]  }
0x2c: {  	v10 =	vadd.s32 v6, v10;
	v6 =	vadd.s32 v6, v11;
	v19 =	vor.u32 v14, v8;
	v2 =	vld [tilespmem:s20+$0x30]  }
0x2d: {  	v20 =	vor.u32 v5, v9;
	v5 =	vadd.s32 v7, v11;
	v10 =	vor.u32 v3, v10;
	s19 =	sshrl.u32 s19, $0x2;
	v11 =	vld [tilespmem:s20+$0x0]  }
0x2e: {  	s26 =	simm.s32 $0x0;
	s21 =	sadd.s32 $0x8400, s19;
	v22 =	vld [tilespmem:s20+$0xFFFFFFF0]  }
0x2f: {  	s28 =	simm.s32 $0x7;
	s22 =	simm.s32 $0x6;
	v7 =	vmov s26;
	v23 =	vor.u32 v3, v6;
	v25 =	vld [tilespmem:s20+$0x10];
	[tilespmem:v15+s21+$0x0] =	vst.idx.msk $0xffff, v16  }
0x30: {  	s29 =	simm.s32 $0x5;
	v21 =	vmov s28;
	v8 =	vmov s22;
	v7 =	vmul.u32 $0x440, v7;
	[tilespmem:v12+s21+$0x0] =	vst.idx.msk $0xffff, v18  }
0x31: {  	v6 =	vmov s29;
	v24 =	vand.u32 $0x78, v8;
	v3 =	vand.u32 $0x6, v8;
	v9 =	vld [tilespmem:s20+$0xFFFFFFD0];
	[tilespmem:v19+s21+$0x0] =	vst.idx.msk $0xffff, v13  }
0x32: {  	s30 =	simm.s32 $0x4;
	v8 =	vand.u32 $0x78, v21;
	v15 =	vbroadcast v7, $0x0;
	v7 =	vor.u32 v4, v5;
	[tilespmem:v10+s21+$0x0] =	vst.idx.msk $0xffff, v11  }
0x33: {  	v16 =	vmov s30;
	v18 =	vand.u32 $0x78, v6;
	v12 =	vand.u32 $0x5, v6;
	[tilespmem:v20+s21+$0x0] =	vst.idx.msk $0xffff, v22  }
0x34: {  	s18 =	smul.u32 $0x15400, s18;
	s23 =	sadd.s32 $0x80, s20;
	v5 =	vand.u32 $0x7, v21;
	v11 =	vand.u32 $0x78, v16;
	v6 =	vand.u32 $0x4, v16;
	[tilespmem:v23+s21+$0x0] =	vst.idx.msk $0xffff, v25  }
0x35: {  	v4 =	vld [tilespmem:s23+$0xFFFFFFC0];
	v26 =	vadd.s32 v0, v15;
	v13 =	vadd.s32 v1, v15;
	v15 =	vor.u32 v14, v17  }
0x36: {  	s31 =	sshrl.u32 s18, $0x2;
	v10 =	vld [tilespmem:s23+$0x30];
	v21 =	vadd.s32 v18, v26;
	v19 =	vadd.s32 v11, v26;
	v17 =	vadd.s32 v8, v26  }
0x37: {  	s24 =	simm.s32 $0x8;
	s18 =	sadd.s32 $0xC3C0, s31;
	s19 =	sadd.s32 $0xAE80, s31;
	v16 =	vld [tilespmem:s23+$0x20];
	v11 =	vadd.s32 v11, v13;
	v22 =	vadd.s32 v24, v26;
	v20 =	vadd.s32 v24, v13  }
0x38: {  	s20 =	sadd.s32 $0x9940, s31;
	s22 =	sadd.s32 $0x8400, s31;
	s25 =	sadd.s32 $0x80, s23;
	v14 =	vor.u32 v12, v21;
	v21 =	vadd.s32 v18, v13;
	v18 =	vor.u32 v5, v17;
	v17 =	vld [tilespmem:s23+$0xFFFFFFE0]  }
.LBB2_3:
0x39: {  	s26 =	sshrl.u32 s24, $0x7  }
0x3a: {  	v23 =	vld [tilespmem:s25+$0xFFFFFFC0];
	s28 =	sadd.s32 $0x1, s24;
	s29 =	sadd.s32 $0x2, s24;
	v19 =	vor.u32 v6, v19;
	v21 =	vor.u32 v12, v21;
	v12 =	vadd.s32 v8, v13;
	s30 =	smov.u32 s24  }
0x3b: {  	p1 =	slt.u32 s24, $0x1FC;
	s24 =	sadd.s32 $0x4, s24;
	v22 =	vor.u32 v3, v22;
	v8 =	vmov s26;
	v13 =	vmov s29;
	s26 =	sadd.s32 $0x3, s30;
	v24 =	vld [tilespmem:s23+$0x0];
	[tilespmem:v15+s21+$0x0] =	vst.idx.msk $0xffff, v9  }
0x3c: {  	v20 =	vor.u32 v3, v20;
	v8 =	vmul.u32 $0x440, v8;
	v15 =	vmov s26;
	v25 =	vld [tilespmem:s23+$0xFFFFFFF0];
	[tilespmem:v7+s21+$0x0] =	vst.idx.msk $0xffff, v2;
	v2 =	vmovc v10  }
0x3d: {  	v10 =	vmov s28;
	v26 =	vand.u32 $0x78, v13;
	v3 =	vand.u32 $0x6, v13;
	v27 =	vld [tilespmem:s23+$0x10];
	[tilespmem:v18+s21+$0x0] =	vst.idx.msk $0xffff, v16  }
0x3e: {  	v7 =	vor.u32 v5, v12;
	v13 =	vbroadcast v8, $0x0;
	v8 =	vand.u32 $0x78, v15;
	v9 =	vld [tilespmem:s23+$0xFFFFFFD0];
	[tilespmem:v14+s21+$0x0] =	vst.idx.msk $0xffff, v17;
	s23 =	smov.u32 s25  }
0x3f: {  	v16 =	vand.u32 $0x78, v10;
	v12 =	vand.u32 $0x5, v10;
	v14 =	vmov s30;
	[tilespmem:v19+s21+$0x0] =	vst.idx.msk $0xffff, v4;
	v4 =	vmovc v23  }
.Ltmp0:
0x40: {  	v5 =	vand.u32 $0x7, v15;
	v23 =	vadd.s32 v0, v13;
	v13 =	vadd.s32 v1, v13;
	[tilespmem:v22+s21+$0x0] =	vst.idx.msk $0xffff, v24;
	(pc) =	sbr.rel @p1 .LBB2_3-.Ltmp0, $4  }
0x41: {  	v15 =	vor.u32 v6, v11;
	v17 =	vand.u32 $0x78, v14;
	v18 =	vadd.s32 v16, v23;
	[tilespmem:v21+s21+$0x0] =	vst.idx.msk $0xffff, v25  }
0x42: {  	v6 =	vand.u32 $0x4, v14;
	v19 =	vadd.s32 v17, v23;
	v11 =	vadd.s32 v8, v23;
	v10 =	vld [tilespmem:s25+$0x30];
	[tilespmem:v20+s21+$0x0] =	vst.idx.msk $0xffff, v27  }
0x43: {  	v21 =	vadd.s32 v16, v13;
	v14 =	vor.u32 v12, v18;
	v18 =	vor.u32 v5, v11;
	v16 =	vld [tilespmem:s25+$0x20]  }
0x44: {  	v22 =	vadd.s32 v26, v23;
	v11 =	vadd.s32 v17, v13;
	v20 =	vadd.s32 v26, v13;
	s25 =	sadd.s32 $0x80, s25;
	v17 =	vld [tilespmem:s23+$0xFFFFFFE0]  }
0x45: {  	_ =	sdelay $0x2  }
0x46: {  	v19 =	vor.u32 v6, v19  }
0x47: {  	[tilespmem:v15+s21+$0x0] =	vst.idx.msk $0xffff, v9;
	v58 =	vld [tilespmem:s23+$0x0];
	v59 =	vor.u32 v3, v22  }
0x48: {  	v12 =	vor.u32 v12, v21;
	v60 =	vld [tilespmem:s23+$0xFFFFFFF0];
	[tilespmem:v7+s21+$0x0] =	vst.idx.msk $0xffff, v2  }
0x49: {  	v2 =	vor.u32 v3, v20;
	v3 =	vld [tilespmem:s23+$0x10];
	[tilespmem:v18+s21+$0x0] =	vst.idx.msk $0xffff, v16  }
0x4a: {  	v61 =	vadd.s32 v8, v13;
	v62 =	vld [tilespmem:s23+$0xFFFFFFD0];
	v63 =	vor.u32 v6, v11;
	[tilespmem:v14+s21+$0x0] =	vst.idx.msk $0xffff, v17  }
0x4b: {  	v5 =	vor.u32 v5, v61;
	[tilespmem:v19+s21+$0x0] =	vst.idx.msk $0xffff, v4  }
0x4c: {  	[tilespmem:v59+s21+$0x0] =	vst.idx.msk $0xffff, v58  }
0x4d: {  	[tilespmem:v12+s21+$0x0] =	vst.idx.msk $0xffff, v60  }
0x4e: {  	s17 =	sshll.u32 s17, $0x10;
	[tilespmem:v2+s21+$0x0] =	vst.idx.msk $0xffff, v3  }
0x4f: {  	s17 =	sadd.s32 s17, s8;
	[tilespmem:v63+s21+$0x0] =	vst.idx.msk $0xffff, v62  }
0x50: {  	s23 =	sadd.s32 $0x88, s22;
	s24 =	sadd.s32 $0x0, s17;
	[tilespmem:v5+s21+$0x0] =	vst.idx.msk $0xffff, v10;
	s21 =	simm.s32 $0x10  }
.LBB2_5:
0x51: {  	[hbm4b:s24+s2] =	stream.linear.scatter [tilespmem:s22], [sflag:$0x3], $0x80, $0x38;
	[tilespmem:$0x12E00] =	vst v63  }
0x52: {  	s24 =	smov.u32 s21;
	s22 =	smov.u32 s23;
	p1 =	sne.s32 s21, $0x1F0  }
.Ltmp1:
0x53: {  	s21 =	sadd.s32 $0x10, s21;
	(pc) =	sbr.rel @p1 .LBB2_5-.Ltmp1, $2  }
0x54: {  	_ =	sdelay $0x2  }
0x55: {  	s23 =	sadd.s32 $0x88, s23;
	s24 =	sadd.s32 s24, s17  }
0x56: {  	[hbm4b:s24+s2] =	stream.linear.scatter [tilespmem:s22], [sflag:$0x3], $0x80, $0x38;
	[tilespmem:$0x12E00] =	vst v63  }
0x57: {  	s21 =	sadd.s32 $0x4000, s17  }
0x58: {  	s22 =	simm.s32 $0x10;
	s23 =	sadd.s32 $0x88, s20;
	s24 =	sadd.s32 $0x0, s21  }
.LBB2_7:
0x59: {  	[hbm4b:s24+s2] =	stream.linear.scatter [tilespmem:s20], [sflag:$0x3], $0x80, $0x38;
	[tilespmem:$0x12E00] =	vst v63  }
0x5a: {  	s24 =	smov.u32 s22;
	s20 =	smov.u32 s23;
	p1 =	sne.s32 s22, $0x1F0  }
.Ltmp2:
0x5b: {  	s22 =	sadd.s32 $0x10, s22;
	(pc) =	sbr.rel @p1 .LBB2_7-.Ltmp2, $2  }
0x5c: {  	_ =	sdelay $0x2  }
0x5d: {  	s23 =	sadd.s32 $0x88, s23;
	s24 =	sadd.s32 s24, s21  }
0x5e: {  	[hbm4b:s24+s2] =	stream.linear.scatter [tilespmem:s20], [sflag:$0x3], $0x80, $0x38;
	[tilespmem:$0x12E00] =	vst v63  }
0x5f: {  	s20 =	sadd.s32 $0x8000, s17  }
0x60: {  	s21 =	simm.s32 $0x10;
	s22 =	sadd.s32 $0x88, s19;
	s23 =	sadd.s32 $0x0, s20  }
.LBB2_9:
0x61: {  	[hbm4b:s23+s2] =	stream.linear.scatter [tilespmem:s19], [sflag:$0x3], $0x80, $0x38;
	[tilespmem:$0x12E00] =	vst v63  }
0x62: {  	s23 =	smov.u32 s21;
	s19 =	smov.u32 s22;
	p1 =	sne.s32 s21, $0x1F0  }
.Ltmp3:
0x63: {  	s21 =	sadd.s32 $0x10, s21;
	(pc) =	sbr.rel @p1 .LBB2_9-.Ltmp3, $2  }
0x64: {  	_ =	sdelay $0x2  }
0x65: {  	s22 =	sadd.s32 $0x88, s22;
	s23 =	sadd.s32 s23, s20  }
0x66: {  	[hbm4b:s23+s2] =	stream.linear.scatter [tilespmem:s19], [sflag:$0x3], $0x80, $0x38;
	[tilespmem:$0x12E00] =	vst v63  }
0x67: {  	s17 =	sadd.s32 $0xC000, s17  }
0x68: {  	s19 =	simm.s32 $0x10;
	s20 =	sadd.s32 $0x88, s18;
	s21 =	sadd.s32 $0x0, s17  }
.LBB2_11:
0x69: {  	[hbm4b:s21+s2] =	stream.linear.scatter [tilespmem:s18], [sflag:$0x3], $0x80, $0x38;
	[tilespmem:$0x12E00] =	vst v63  }
0x6a: {  	s21 =	smov.u32 s19;
	s18 =	smov.u32 s20;
	p1 =	sne.s32 s19, $0x1F0  }
.Ltmp4:
0x6b: {  	s19 =	sadd.s32 $0x10, s19;
	(pc) =	sbr.rel @p1 .LBB2_11-.Ltmp4, $2  }
0x6c: {  	_ =	sdelay $0x2  }
0x6d: {  	s20 =	sadd.s32 $0x88, s20;
	s21 =	sadd.s32 s21, s17  }
0x6e: {  	p1 =	sne.s32 s16, $0xC8  }
.Ltmp5:
0x6f: {  	_ = 	snop;
	(pc) =	sbr.rel @p1 .LBB2_2-.Ltmp5, $3  }
0x70: {  	_ =	sdelay $0x1  }
0x71: {  	[hbm4b:s21+s2] =	stream.linear.scatter [tilespmem:s18], [sflag:$0x3], $0x80, $0x38;
	[tilespmem:$0x12E00] =	vst v63  }
0x72: {  	p0 =	por !p0, !p0;
	s17 =	smov.u32 s16  }
0x73: {  	s15 =	sadd.s32 $0x1, s15  }
0x74: {  	_ =	swait.ge [sflag:s14], $0x4000;
	p0 =	sne.s32 s15, s9  }
.Ltmp6:
0x75: {  	[sflag:s14] =	ssyncset.done $0x0;
	(pc) =	sbr.rel @p0 .LBB2_1-.Ltmp6, $4  }
0x76: {  	[sflag:s14] =	ssyncadd.s32 $0xFFFFC000  }
0x77: {  	_ =	swait.ge [sflag:s14], $0x4000  }
0x78: {  	[sflag:s14] =	ssyncset.done $0x0  }
0x79: {  	[sflag:s14] =	ssyncadd.s32 $0xFFFFC000  }
0x7a: {  	_ =	sfence.sel $0x180000  }
0x7b: {  	[bflag:$0x0] =	sbarrier.arrive $0xFFFF  }
0x7c: {  	p0 =	sne.s32 s1, $0x0;
	_ =	strace $0x90000047  }
0x7d: {  	s0 =	sadd.s32 @!p0 $0x100000, s0;
	[bflag:$0x2] =	sbarrier.arrive $0xFFFF  }
0x7e: {  	[sflag:s0] =	ssyncadd.tile.s32 @!p0 $0x1;
	_ =	shalt  }
.Lfunc_end2:
_tile_overlayer_lowered:
.L_overlay_start_2:
0x7f: {  	(tag) =	ssettag $0x2  }
0x80: {  	s0 =	rddreg [dreg:$0x0];
	s2 =	stileid.u32  }
0x81: {  	s1 =	rddreg [dreg:$0x1];
	p0 =	sne.s32 s2, $0x0  }
0x82: {  	s3 =	rddreg [dreg:$0x2];
	[bflag:$0x3] =	sbarrier.arrive $0xFFFF;
	s2 =	simm.s32 @!p0 $0x1C04  }
0x83: {  	[timem:s3], [sflag:s2] =	dma.local @!p0 [hbm:s0], s1  }
0x84: {  	s0 =	simm.s32 @!p0 $0x4  }
0x85: {  	_ =	swait.ge @!p0 [sflag:s0], s1  }
0x86: {  	s1 =	ssub.s32 @!p0 $0x0, s1;
	[sflag:s0] =	ssyncset.done @!p0 $0x0  }
0x87: {  	[sflag:s0] =	ssyncadd.s32 @!p0 s1  }
0x88: {  	[bflag:$0x3] =	sbarrier.arrive $0xFFFF  }
0x89: {  	_ =	shalt  }

</sc_bundles>
